<compile_context>
chip_gen: v7x
topology: tpu7x:2x2x1
jax: 0.10.2.dev20260603
libtpu: 0.0.44.dev20260713+nightly
codegen_flags: <defaults>
</compile_context>

<pallas_src>
import functools
import math

import jax
import jax.numpy as jnp
from jax import lax
from jax.experimental import pallas as pl
from jax.experimental.pallas import tpu as pltpu
from jax.experimental.pallas import tpu_sc as plsc

_ROT_DIM = 64

_NC = 2
_NS = 16
_NW = _NC * _NS

_C = 8
_NBUF = 2


def _emb_gather_sc(emb_table, idx_flat):
    n_rows = idx_flat.shape[0]
    d = emb_table.shape[1]
    rows_per_w = n_rows // _NW
    nchunk = rows_per_w // _C
    ngroup = nchunk // _NBUF
    assert rows_per_w * _NW == n_rows
    assert _C * nchunk == rows_per_w and _NBUF * ngroup == nchunk

    mesh = plsc.VectorSubcoreMesh(core_axis_name="c", subcore_axis_name="s")

    @functools.partial(
        pl.kernel,
        mesh=mesh,
        out_type=jax.ShapeDtypeStruct((n_rows, d), jnp.float32),
        scratch_types=(
            [pltpu.VMEM((rows_per_w,), jnp.int32),
             pltpu.VMEM((_NBUF, _C, d), jnp.float32)]
            + [pltpu.SemaphoreType.DMA] * (2 * _NBUF)
        ),
    )
    def k(table_hbm, idx_hbm, out_hbm, idx_v, rows_v, *sems):
        gsem = sems[:_NBUF]
        ssem = sems[_NBUF:]
        wid = lax.axis_index("s") * _NC + lax.axis_index("c")
        base = wid * rows_per_w
        pltpu.sync_copy(idx_hbm.at[pl.ds(base, rows_per_w)], idx_v)

        def start_gather(g, b):
            pltpu.async_copy(
                table_hbm.at[idx_v.at[pl.ds(g * _C, _C)]],
                rows_v.at[b], gsem[b])

        def wait_gather(b):
            pltpu.make_async_copy(
                table_hbm.at[idx_v.at[pl.ds(0, _C)]],
                rows_v.at[b], gsem[b]).wait()

        def start_scatter(g, b):
            pltpu.async_copy(
                rows_v.at[b],
                out_hbm.at[pl.ds(base + g * _C, _C)], ssem[b])

        def wait_scatter(b):
            pltpu.make_async_copy(
                rows_v.at[b],
                out_hbm.at[pl.ds(0, _C)], ssem[b]).wait()

        for b in range(_NBUF):
            start_gather(b, b)

        def group(gi, carry):
            gprev = (gi - 1) * _NBUF
            gcur = gi * _NBUF
            for b in range(_NBUF):
                wait_gather(b)
                start_scatter(gprev + b, b)
            for b in range(_NBUF):
                wait_scatter(b)
                start_gather(gcur + b, b)
            return carry

        lax.fori_loop(1, ngroup, group, 0)

        last = (ngroup - 1) * _NBUF
        for b in range(_NBUF):
            wait_gather(b)
            start_scatter(last + b, b)
        for b in range(_NBUF):
            wait_scatter(b)

    return k(emb_table, idx_flat)


def _rotary_tc(seq_len):

    def body(out_ref):
        s = lax.broadcasted_iota(jnp.int32, (seq_len, _ROT_DIM), 0).astype(jnp.float32)
        j = lax.broadcasted_iota(jnp.int32, (seq_len, _ROT_DIM), 1)
        i = (j // 2).astype(jnp.float32)
        inv_freq = jnp.exp(i * (-math.log(10000.0) / (_ROT_DIM // 2)))
        ang = s * inv_freq
        out_ref[...] = jnp.where(j % 2 == 0, jnp.cos(ang), jnp.sin(ang))

    return pl.pallas_call(
        body,
        out_shape=jax.ShapeDtypeStruct((seq_len, _ROT_DIM), jnp.float32),
    )()


def kernel(input_ids, labels, emb_table):
    b, s = input_ids.shape
    hidden = emb_table.shape[1]
    idx_flat = jnp.transpose(input_ids).reshape(-1)
    flat = _emb_gather_sc(emb_table, idx_flat)
    hidden_states = flat.reshape(s, b, hidden)
    rotary = _rotary_tc(s).reshape(s, 1, _ROT_DIM // 2, 2)
    return (hidden_states, rotary, labels)

# --- scband reference (transcript-rebuilt; emitter-appended) ---
"""Pipeline reference for scband-embedding-pipe-layer-18743237280013 (READ-ONLY COPY).

The authoritative reference and input builder live on the scoring server;
editing this copy changes nothing except your own understanding.
"""

import jax, jax.numpy as jnp
import numpy as np

VOCAB = 65024
HIDDEN = 4096
ROT_DIM = 64  # head_dim // 2 = (4096 // 32) // 2


def setup_inputs(seed: int = 0) -> dict:
    key = jax.random.key(seed)
    k1, k2, k3 = jax.random.split(key, 3)
    input_ids = jax.random.randint(k1, (2, 4096), 0, VOCAB, dtype=jnp.int64 if jax.config.jax_enable_x64 else jnp.int32).astype(jnp.int32)
    labels = jax.random.randint(k2, (2, 4096), 0, VOCAB, dtype=jnp.int64 if jax.config.jax_enable_x64 else jnp.int32).astype(jnp.int32)
    emb_table = jax.random.normal(k3, (VOCAB, HIDDEN), dtype=jnp.float32) * 0.02
    return {"input_ids": input_ids, "labels": labels, "emb_table": emb_table}


def _rotary_cache(seq_len, dim=ROT_DIM):
    # ChatGLM RotaryEmbedding: inv_freq over dim//2 frequencies
    inv_freq = 1.0 / (10000.0 ** (jnp.arange(0, dim, 2, dtype=jnp.float32) / dim))
    seq = jnp.arange(seq_len, dtype=jnp.float32)
    freqs = jnp.outer(seq, inv_freq)  # [s, dim//2]
    cache = jnp.stack([jnp.cos(freqs), jnp.sin(freqs)], axis=-1)  # [s, dim//2, 2]
    return cache


def reference(input_ids, labels, emb_table):
    # word embedding gather: [b, s] -> [b, s, h]
    hidden_states = jnp.take(emb_table, input_ids, axis=0)
    seq_len = input_ids.shape[1]
    rotary_pos_emb = _rotary_cache(seq_len)[None, :seq_len]  # [1, s, dim//2, 2]
    rotary_pos_emb = jnp.transpose(rotary_pos_emb, (1, 0, 2, 3))  # [s, 1, dim//2, 2]
    hidden_states = jnp.transpose(hidden_states, (1, 0, 2))  # [s, b, h]
    return (hidden_states, rotary_pos_emb, labels)

if __name__ == "__main__":
    import jax
    _d = setup_inputs()
    print(jax.jit(kernel)(*tuple(_d.values())))

</pallas_src>

<mosaic_0001>
#map = affine_map<(d0, d1) -> (0, 0)>
#map1 = affine_map<(d0, d1) -> (0)>
module attributes {stable_mosaic.version = 14 : i64} {
  func.func @k(%arg0: i32, %arg1: i32, %arg2: memref<65024x4096xf32, #tpu.memory_space<hbm>>, %arg3: memref<8192xi32, #tpu.memory_space<hbm>>, %arg4: memref<8192x4096xf32, #tpu.memory_space<hbm>>, %arg5: memref<256xi32, #tpu.memory_space<vmem>>, %arg6: memref<2x8x4096xf32, #tpu.memory_space<vmem>>, %arg7: memref<!tpu.dma_semaphore, #tpu.memory_space<semaphore_mem>>, %arg8: memref<!tpu.dma_semaphore, #tpu.memory_space<semaphore_mem>>, %arg9: memref<!tpu.dma_semaphore, #tpu.memory_space<semaphore_mem>>, %arg10: memref<!tpu.dma_semaphore, #tpu.memory_space<semaphore_mem>>) attributes {dimension_semantics = [#tpu.dimension_semantics<core_parallel>, #tpu.dimension_semantics<subcore_parallel>], iteration_bounds = array<i64: 2, 16>, scalar_prefetch = 0 : i64, scratch_operands = 6 : i64, tpu.core_type = #tpu.core_type<sc_vector_subcore>, window_params = [{transform_indices = #map}, {transform_indices = #map1}, {transform_indices = #map}]} {
    %mul3A = arith.constant 2 : i32
    %mul3A_0 = arith.muli %arg1, %mul3A : i32
    %add3A = arith.addi %mul3A_0, %arg0 : i32
    %mul3A_1 = arith.constant 256 : i32
    %mul3A_2 = arith.muli %add3A, %mul3A_1 : i32
    "tpu.region"() ({
      %run_scoped3A = tpu.sem_alloc : memref<!tpu.dma_semaphore, #tpu.memory_space<semaphore_mem>>
      %dma_start3A_106 = tpu.memref_slice %arg3[%mul3A_2] : memref<8192xi32, #tpu.memory_space<hbm>> -> memref<256xi32, #tpu.memory_space<hbm>>
      %dma_start3A_107 = tpu.memref_slice %arg3[%mul3A_2] : memref<8192xi32, #tpu.memory_space<hbm>> -> memref<256xi32, #tpu.memory_space<hbm>>
      tpu.enqueue_dma source(%dma_start3A_107 : memref<256xi32, #tpu.memory_space<hbm>>) target(%arg5 : memref<256xi32, #tpu.memory_space<vmem>>) target_semaphore(%run_scoped3A : memref<!tpu.dma_semaphore, #tpu.memory_space<semaphore_mem>>)
      %dma_wait3A_108 = tpu.memref_slice %arg3[%mul3A_2] : memref<8192xi32, #tpu.memory_space<hbm>> -> memref<256xi32, #tpu.memory_space<hbm>>
      %dma_wait3A_109 = tpu.memref_slice %arg3[%mul3A_2] : memref<8192xi32, #tpu.memory_space<hbm>> -> memref<256xi32, #tpu.memory_space<hbm>>
      tpu.wait_dma2 semaphore(%run_scoped3A : memref<!tpu.dma_semaphore, #tpu.memory_space<semaphore_mem>>) src(%dma_wait3A_109 : memref<256xi32, #tpu.memory_space<hbm>>) dst(%arg5 : memref<256xi32, #tpu.memory_space<vmem>>)
      tpu.yield
    }) : () -> ()
    %dma_start3A = arith.constant 0 : i32
    %dma_start3A_3 = arith.constant 0 : i32
    %dma_start3A_4 = arith.constant 0 : i32
    %dma_start3A_5 = tpu.memref_slice %arg6[%dma_start3A, %dma_start3A_3, %dma_start3A_4] : memref<2x8x4096xf32, #tpu.memory_space<vmem>> -> memref<1x8x4096xf32, #tpu.memory_space<vmem>>
    %dma_start3A_6 = tpu.memref_squeeze %dma_start3A_5 : memref<1x8x4096xf32, #tpu.memory_space<vmem>> -> memref<8x4096xf32, #tpu.memory_space<vmem>>
    %dma_start3A_7 = arith.constant 0 : i32
    %dma_start3A_8 = tpu.memref_slice %arg5[%dma_start3A_7] : memref<256xi32, #tpu.memory_space<vmem>> -> memref<8xi32, #tpu.memory_space<vmem>>
    %dma_start3A_9 = arith.constant 0 : i32
    %dma_start3A_10 = arith.constant 0 : i32
    %dma_start3A_11 = tpu.memref_slice %arg2[%dma_start3A_9, %dma_start3A_10] : memref<65024x4096xf32, #tpu.memory_space<hbm>> -> memref<65024x4096xf32, #tpu.memory_space<hbm>>
    tpu.enqueue_indirect_dma source(%dma_start3A_11 : memref<65024x4096xf32, #tpu.memory_space<hbm>>) target(%dma_start3A_6 : memref<8x4096xf32, #tpu.memory_space<vmem>>) offsets(%dma_start3A_8 : memref<8xi32, #tpu.memory_space<vmem>>) semaphore(%arg7 : memref<!tpu.dma_semaphore, #tpu.memory_space<semaphore_mem>>)
    %dma_start3A_12 = arith.constant 1 : i32
    %dma_start3A_13 = arith.constant 0 : i32
    %dma_start3A_14 = arith.constant 0 : i32
    %dma_start3A_15 = tpu.memref_slice %arg6[%dma_start3A_12, %dma_start3A_13, %dma_start3A_14] : memref<2x8x4096xf32, #tpu.memory_space<vmem>> -> memref<1x8x4096xf32, #tpu.memory_space<vmem>>
    %dma_start3A_16 = tpu.memref_squeeze %dma_start3A_15 : memref<1x8x4096xf32, #tpu.memory_space<vmem>> -> memref<8x4096xf32, #tpu.memory_space<vmem>>
    %dma_start3A_17 = arith.constant 8 : i32
    %dma_start3A_18 = tpu.memref_slice %arg5[%dma_start3A_17] : memref<256xi32, #tpu.memory_space<vmem>> -> memref<8xi32, #tpu.memory_space<vmem>>
    %dma_start3A_19 = arith.constant 0 : i32
    %dma_start3A_20 = arith.constant 0 : i32
    %dma_start3A_21 = tpu.memref_slice %arg2[%dma_start3A_19, %dma_start3A_20] : memref<65024x4096xf32, #tpu.memory_space<hbm>> -> memref<65024x4096xf32, #tpu.memory_space<hbm>>
    tpu.enqueue_indirect_dma source(%dma_start3A_21 : memref<65024x4096xf32, #tpu.memory_space<hbm>>) target(%dma_start3A_16 : memref<8x4096xf32, #tpu.memory_space<vmem>>) offsets(%dma_start3A_18 : memref<8xi32, #tpu.memory_space<vmem>>) semaphore(%arg8 : memref<!tpu.dma_semaphore, #tpu.memory_space<semaphore_mem>>)
    %scan3A = arith.constant 0 : i32
    %scan3A_22 = arith.constant 1 : i32
    %scan3A_23 = arith.constant 15 : i32
    %scan3A_24 = arith.addi %scan3A_22, %scan3A_23 : i32
    %scan3A_25 = arith.constant 1 : i32
    scf.for %scan3A_106 = %scan3A_22 to %scan3A_24 step %scan3A_25  : i32 {
      %sub3A = arith.constant 1 : i32
      %sub3A_107 = arith.subi %scan3A_106, %sub3A : i32
      %mul3A_108 = arith.constant 2 : i32
      %mul3A_109 = arith.muli %sub3A_107, %mul3A_108 : i32
      %mul3A_110 = arith.constant 2 : i32
      %mul3A_111 = arith.muli %scan3A_106, %mul3A_110 : i32
      %dma_wait3A_112 = arith.constant 0 : i32
      %dma_wait3A_113 = arith.constant 0 : i32
      %dma_wait3A_114 = arith.constant 0 : i32
      %dma_wait3A_115 = tpu.memref_slice %arg6[%dma_wait3A_112, %dma_wait3A_113, %dma_wait3A_114] : memref<2x8x4096xf32, #tpu.memory_space<vmem>> -> memref<1x8x4096xf32, #tpu.memory_space<vmem>>
      %dma_wait3A_116 = tpu.memref_squeeze %dma_wait3A_115 : memref<1x8x4096xf32, #tpu.memory_space<vmem>> -> memref<8x4096xf32, #tpu.memory_space<vmem>>
      %dma_wait3A_117 = arith.constant 0 : i32
      %dma_wait3A_118 = tpu.memref_slice %arg5[%dma_wait3A_117] : memref<256xi32, #tpu.memory_space<vmem>> -> memref<8xi32, #tpu.memory_space<vmem>>
      %dma_wait3A_119 = arith.constant 0 : i32
      %dma_wait3A_120 = arith.constant 0 : i32
      %dma_wait3A_121 = tpu.memref_slice %arg2[%dma_wait3A_119, %dma_wait3A_120] : memref<65024x4096xf32, #tpu.memory_space<hbm>> -> memref<65024x4096xf32, #tpu.memory_space<hbm>>
      tpu.wait_indirect_dma semaphore(%arg7 : memref<!tpu.dma_semaphore, #tpu.memory_space<semaphore_mem>>) src(%dma_wait3A_121 : memref<65024x4096xf32, #tpu.memory_space<hbm>>) dst(%dma_wait3A_116 : memref<8x4096xf32, #tpu.memory_space<vmem>>)
      %add3A_122 = arith.constant 0 : i32
      %add3A_123 = arith.addi %mul3A_109, %add3A_122 : i32
      %mul3A_124 = arith.constant 8 : i32
      %mul3A_125 = arith.muli %add3A_123, %mul3A_124 : i32
      %add3A_126 = arith.addi %mul3A_2, %mul3A_125 : i32
      %dma_start3A_127 = arith.constant 0 : i32
      %dma_start3A_128 = arith.constant 0 : i32
      %dma_start3A_129 = arith.constant 0 : i32
      %dma_start3A_130 = tpu.memref_slice %arg6[%dma_start3A_127, %dma_start3A_128, %dma_start3A_129] : memref<2x8x4096xf32, #tpu.memory_space<vmem>> -> memref<1x8x4096xf32, #tpu.memory_space<vmem>>
      %dma_start3A_131 = tpu.memref_squeeze %dma_start3A_130 : memref<1x8x4096xf32, #tpu.memory_space<vmem>> -> memref<8x4096xf32, #tpu.memory_space<vmem>>
      %dma_start3A_132 = arith.constant 0 : i32
      %dma_start3A_133 = tpu.memref_slice %arg4[%add3A_126, %dma_start3A_132] : memref<8192x4096xf32, #tpu.memory_space<hbm>> -> memref<8x4096xf32, #tpu.memory_space<hbm>>
      %dma_start3A_134 = arith.constant 0 : i32
      %dma_start3A_135 = tpu.memref_slice %arg4[%add3A_126, %dma_start3A_134] : memref<8192x4096xf32, #tpu.memory_space<hbm>> -> memref<8x4096xf32, #tpu.memory_space<hbm>>
      %dma_start3A_136 = arith.constant 0 : i32
      %dma_start3A_137 = arith.constant 0 : i32
      %dma_start3A_138 = tpu.memref_slice %arg6[%dma_start3A_127, %dma_start3A_136, %dma_start3A_137] : memref<2x8x4096xf32, #tpu.memory_space<vmem>> -> memref<1x8x4096xf32, #tpu.memory_space<vmem>>
      %dma_start3A_139 = tpu.memref_squeeze %dma_start3A_138 : memref<1x8x4096xf32, #tpu.memory_space<vmem>> -> memref<8x4096xf32, #tpu.memory_space<vmem>>
      tpu.enqueue_dma source(%dma_start3A_139 : memref<8x4096xf32, #tpu.memory_space<vmem>>) target(%dma_start3A_135 : memref<8x4096xf32, #tpu.memory_space<hbm>>) target_semaphore(%arg9 : memref<!tpu.dma_semaphore, #tpu.memory_space<semaphore_mem>>)
      %dma_wait3A_140 = arith.constant 1 : i32
      %dma_wait3A_141 = arith.constant 0 : i32
      %dma_wait3A_142 = arith.constant 0 : i32
      %dma_wait3A_143 = tpu.memref_slice %arg6[%dma_wait3A_140, %dma_wait3A_141, %dma_wait3A_142] : memref<2x8x4096xf32, #tpu.memory_space<vmem>> -> memref<1x8x4096xf32, #tpu.memory_space<vmem>>
      %dma_wait3A_144 = tpu.memref_squeeze %dma_wait3A_143 : memref<1x8x4096xf32, #tpu.memory_space<vmem>> -> memref<8x4096xf32, #tpu.memory_space<vmem>>
      %dma_wait3A_145 = arith.constant 0 : i32
      %dma_wait3A_146 = tpu.memref_slice %arg5[%dma_wait3A_145] : memref<256xi32, #tpu.memory_space<vmem>> -> memref<8xi32, #tpu.memory_space<vmem>>
      %dma_wait3A_147 = arith.constant 0 : i32
      %dma_wait3A_148 = arith.constant 0 : i32
      %dma_wait3A_149 = tpu.memref_slice %arg2[%dma_wait3A_147, %dma_wait3A_148] : memref<65024x4096xf32, #tpu.memory_space<hbm>> -> memref<65024x4096xf32, #tpu.memory_space<hbm>>
      tpu.wait_indirect_dma semaphore(%arg8 : memref<!tpu.dma_semaphore, #tpu.memory_space<semaphore_mem>>) src(%dma_wait3A_149 : memref<65024x4096xf32, #tpu.memory_space<hbm>>) dst(%dma_wait3A_144 : memref<8x4096xf32, #tpu.memory_space<vmem>>)
      %add3A_150 = arith.constant 1 : i32
      %add3A_151 = arith.addi %mul3A_109, %add3A_150 : i32
      %mul3A_152 = arith.constant 8 : i32
      %mul3A_153 = arith.muli %add3A_151, %mul3A_152 : i32
      %add3A_154 = arith.addi %mul3A_2, %mul3A_153 : i32
      %dma_start3A_155 = arith.constant 1 : i32
      %dma_start3A_156 = arith.constant 0 : i32
      %dma_start3A_157 = arith.constant 0 : i32
      %dma_start3A_158 = tpu.memref_slice %arg6[%dma_start3A_155, %dma_start3A_156, %dma_start3A_157] : memref<2x8x4096xf32, #tpu.memory_space<vmem>> -> memref<1x8x4096xf32, #tpu.memory_space<vmem>>
      %dma_start3A_159 = tpu.memref_squeeze %dma_start3A_158 : memref<1x8x4096xf32, #tpu.memory_space<vmem>> -> memref<8x4096xf32, #tpu.memory_space<vmem>>
      %dma_start3A_160 = arith.constant 0 : i32
      %dma_start3A_161 = tpu.memref_slice %arg4[%add3A_154, %dma_start3A_160] : memref<8192x4096xf32, #tpu.memory_space<hbm>> -> memref<8x4096xf32, #tpu.memory_space<hbm>>
      %dma_start3A_162 = arith.constant 0 : i32
      %dma_start3A_163 = tpu.memref_slice %arg4[%add3A_154, %dma_start3A_162] : memref<8192x4096xf32, #tpu.memory_space<hbm>> -> memref<8x4096xf32, #tpu.memory_space<hbm>>
      %dma_start3A_164 = arith.constant 0 : i32
      %dma_start3A_165 = arith.constant 0 : i32
      %dma_start3A_166 = tpu.memref_slice %arg6[%dma_start3A_155, %dma_start3A_164, %dma_start3A_165] : memref<2x8x4096xf32, #tpu.memory_space<vmem>> -> memref<1x8x4096xf32, #tpu.memory_space<vmem>>
      %dma_start3A_167 = tpu.memref_squeeze %dma_start3A_166 : memref<1x8x4096xf32, #tpu.memory_space<vmem>> -> memref<8x4096xf32, #tpu.memory_space<vmem>>
      tpu.enqueue_dma source(%dma_start3A_167 : memref<8x4096xf32, #tpu.memory_space<vmem>>) target(%dma_start3A_163 : memref<8x4096xf32, #tpu.memory_space<hbm>>) target_semaphore(%arg10 : memref<!tpu.dma_semaphore, #tpu.memory_space<semaphore_mem>>)
      %dma_wait3A_168 = arith.constant 0 : i32
      %dma_wait3A_169 = arith.constant 0 : i32
      %dma_wait3A_170 = arith.constant 0 : i32
      %dma_wait3A_171 = tpu.memref_slice %arg6[%dma_wait3A_168, %dma_wait3A_169, %dma_wait3A_170] : memref<2x8x4096xf32, #tpu.memory_space<vmem>> -> memref<1x8x4096xf32, #tpu.memory_space<vmem>>
      %dma_wait3A_172 = tpu.memref_squeeze %dma_wait3A_171 : memref<1x8x4096xf32, #tpu.memory_space<vmem>> -> memref<8x4096xf32, #tpu.memory_space<vmem>>
      %dma_wait3A_173 = arith.constant 0 : i32
      %dma_wait3A_174 = arith.constant 0 : i32
      %dma_wait3A_175 = tpu.memref_slice %arg4[%dma_wait3A_173, %dma_wait3A_174] : memref<8192x4096xf32, #tpu.memory_space<hbm>> -> memref<8x4096xf32, #tpu.memory_space<hbm>>
      %dma_wait3A_176 = arith.constant 0 : i32
      %dma_wait3A_177 = arith.constant 0 : i32
      %dma_wait3A_178 = tpu.memref_slice %arg4[%dma_wait3A_176, %dma_wait3A_177] : memref<8192x4096xf32, #tpu.memory_space<hbm>> -> memref<8x4096xf32, #tpu.memory_space<hbm>>
      %dma_wait3A_179 = arith.constant 0 : i32
      %dma_wait3A_180 = arith.constant 0 : i32
      %dma_wait3A_181 = tpu.memref_slice %arg6[%dma_wait3A_168, %dma_wait3A_179, %dma_wait3A_180] : memref<2x8x4096xf32, #tpu.memory_space<vmem>> -> memref<1x8x4096xf32, #tpu.memory_space<vmem>>
      %dma_wait3A_182 = tpu.memref_squeeze %dma_wait3A_181 : memref<1x8x4096xf32, #tpu.memory_space<vmem>> -> memref<8x4096xf32, #tpu.memory_space<vmem>>
      tpu.wait_dma2 semaphore(%arg9 : memref<!tpu.dma_semaphore, #tpu.memory_space<semaphore_mem>>) src(%dma_wait3A_182 : memref<8x4096xf32, #tpu.memory_space<vmem>>) dst(%dma_wait3A_178 : memref<8x4096xf32, #tpu.memory_space<hbm>>)
      %add3A_183 = arith.constant 0 : i32
      %add3A_184 = arith.addi %mul3A_111, %add3A_183 : i32
      %mul3A_185 = arith.constant 8 : i32
      %mul3A_186 = arith.muli %add3A_184, %mul3A_185 : i32
      %dma_start3A_187 = arith.constant 0 : i32
      %dma_start3A_188 = arith.constant 0 : i32
      %dma_start3A_189 = arith.constant 0 : i32
      %dma_start3A_190 = tpu.memref_slice %arg6[%dma_start3A_187, %dma_start3A_188, %dma_start3A_189] : memref<2x8x4096xf32, #tpu.memory_space<vmem>> -> memref<1x8x4096xf32, #tpu.memory_space<vmem>>
      %dma_start3A_191 = tpu.memref_squeeze %dma_start3A_190 : memref<1x8x4096xf32, #tpu.memory_space<vmem>> -> memref<8x4096xf32, #tpu.memory_space<vmem>>
      %dma_start3A_192 = tpu.memref_slice %arg5[%mul3A_186] : memref<256xi32, #tpu.memory_space<vmem>> -> memref<8xi32, #tpu.memory_space<vmem>>
      %dma_start3A_193 = arith.constant 0 : i32
      %dma_start3A_194 = arith.constant 0 : i32
      %dma_start3A_195 = tpu.memref_slice %arg2[%dma_start3A_193, %dma_start3A_194] : memref<65024x4096xf32, #tpu.memory_space<hbm>> -> memref<65024x4096xf32, #tpu.memory_space<hbm>>
      tpu.enqueue_indirect_dma source(%dma_start3A_195 : memref<65024x4096xf32, #tpu.memory_space<hbm>>) target(%dma_start3A_191 : memref<8x4096xf32, #tpu.memory_space<vmem>>) offsets(%dma_start3A_192 : memref<8xi32, #tpu.memory_space<vmem>>) semaphore(%arg7 : memref<!tpu.dma_semaphore, #tpu.memory_space<semaphore_mem>>)
      %dma_wait3A_196 = arith.constant 1 : i32
      %dma_wait3A_197 = arith.constant 0 : i32
      %dma_wait3A_198 = arith.constant 0 : i32
      %dma_wait3A_199 = tpu.memref_slice %arg6[%dma_wait3A_196, %dma_wait3A_197, %dma_wait3A_198] : memref<2x8x4096xf32, #tpu.memory_space<vmem>> -> memref<1x8x4096xf32, #tpu.memory_space<vmem>>
      %dma_wait3A_200 = tpu.memref_squeeze %dma_wait3A_199 : memref<1x8x4096xf32, #tpu.memory_space<vmem>> -> memref<8x4096xf32, #tpu.memory_space<vmem>>
      %dma_wait3A_201 = arith.constant 0 : i32
      %dma_wait3A_202 = arith.constant 0 : i32
      %dma_wait3A_203 = tpu.memref_slice %arg4[%dma_wait3A_201, %dma_wait3A_202] : memref<8192x4096xf32, #tpu.memory_space<hbm>> -> memref<8x4096xf32, #tpu.memory_space<hbm>>
      %dma_wait3A_204 = arith.constant 0 : i32
      %dma_wait3A_205 = arith.constant 0 : i32
      %dma_wait3A_206 = tpu.memref_slice %arg4[%dma_wait3A_204, %dma_wait3A_205] : memref<8192x4096xf32, #tpu.memory_space<hbm>> -> memref<8x4096xf32, #tpu.memory_space<hbm>>
      %dma_wait3A_207 = arith.constant 0 : i32
      %dma_wait3A_208 = arith.constant 0 : i32
      %dma_wait3A_209 = tpu.memref_slice %arg6[%dma_wait3A_196, %dma_wait3A_207, %dma_wait3A_208] : memref<2x8x4096xf32, #tpu.memory_space<vmem>> -> memref<1x8x4096xf32, #tpu.memory_space<vmem>>
      %dma_wait3A_210 = tpu.memref_squeeze %dma_wait3A_209 : memref<1x8x4096xf32, #tpu.memory_space<vmem>> -> memref<8x4096xf32, #tpu.memory_space<vmem>>
      tpu.wait_dma2 semaphore(%arg10 : memref<!tpu.dma_semaphore, #tpu.memory_space<semaphore_mem>>) src(%dma_wait3A_210 : memref<8x4096xf32, #tpu.memory_space<vmem>>) dst(%dma_wait3A_206 : memref<8x4096xf32, #tpu.memory_space<hbm>>)
      %add3A_211 = arith.constant 1 : i32
      %add3A_212 = arith.addi %mul3A_111, %add3A_211 : i32
      %mul3A_213 = arith.constant 8 : i32
      %mul3A_214 = arith.muli %add3A_212, %mul3A_213 : i32
      %dma_start3A_215 = arith.constant 1 : i32
      %dma_start3A_216 = arith.constant 0 : i32
      %dma_start3A_217 = arith.constant 0 : i32
      %dma_start3A_218 = tpu.memref_slice %arg6[%dma_start3A_215, %dma_start3A_216, %dma_start3A_217] : memref<2x8x4096xf32, #tpu.memory_space<vmem>> -> memref<1x8x4096xf32, #tpu.memory_space<vmem>>
      %dma_start3A_219 = tpu.memref_squeeze %dma_start3A_218 : memref<1x8x4096xf32, #tpu.memory_space<vmem>> -> memref<8x4096xf32, #tpu.memory_space<vmem>>
      %dma_start3A_220 = tpu.memref_slice %arg5[%mul3A_214] : memref<256xi32, #tpu.memory_space<vmem>> -> memref<8xi32, #tpu.memory_space<vmem>>
      %dma_start3A_221 = arith.constant 0 : i32
      %dma_start3A_222 = arith.constant 0 : i32
      %dma_start3A_223 = tpu.memref_slice %arg2[%dma_start3A_221, %dma_start3A_222] : memref<65024x4096xf32, #tpu.memory_space<hbm>> -> memref<65024x4096xf32, #tpu.memory_space<hbm>>
      tpu.enqueue_indirect_dma source(%dma_start3A_223 : memref<65024x4096xf32, #tpu.memory_space<hbm>>) target(%dma_start3A_219 : memref<8x4096xf32, #tpu.memory_space<vmem>>) offsets(%dma_start3A_220 : memref<8xi32, #tpu.memory_space<vmem>>) semaphore(%arg8 : memref<!tpu.dma_semaphore, #tpu.memory_space<semaphore_mem>>)
    }
    %scan3A_26 = arith.constant 15 : i32
    %dma_wait3A = arith.constant 0 : i32
    %dma_wait3A_27 = arith.constant 0 : i32
    %dma_wait3A_28 = arith.constant 0 : i32
    %dma_wait3A_29 = tpu.memref_slice %arg6[%dma_wait3A, %dma_wait3A_27, %dma_wait3A_28] : memref<2x8x4096xf32, #tpu.memory_space<vmem>> -> memref<1x8x4096xf32, #tpu.memory_space<vmem>>
    %dma_wait3A_30 = tpu.memref_squeeze %dma_wait3A_29 : memref<1x8x4096xf32, #tpu.memory_space<vmem>> -> memref<8x4096xf32, #tpu.memory_space<vmem>>
    %dma_wait3A_31 = arith.constant 0 : i32
    %dma_wait3A_32 = tpu.memref_slice %arg5[%dma_wait3A_31] : memref<256xi32, #tpu.memory_space<vmem>> -> memref<8xi32, #tpu.memory_space<vmem>>
    %dma_wait3A_33 = arith.constant 0 : i32
    %dma_wait3A_34 = arith.constant 0 : i32
    %dma_wait3A_35 = tpu.memref_slice %arg2[%dma_wait3A_33, %dma_wait3A_34] : memref<65024x4096xf32, #tpu.memory_space<hbm>> -> memref<65024x4096xf32, #tpu.memory_space<hbm>>
    tpu.wait_indirect_dma semaphore(%arg7 : memref<!tpu.dma_semaphore, #tpu.memory_space<semaphore_mem>>) src(%dma_wait3A_35 : memref<65024x4096xf32, #tpu.memory_space<hbm>>) dst(%dma_wait3A_30 : memref<8x4096xf32, #tpu.memory_space<vmem>>)
    %add3A_36 = arith.constant 240 : i32
    %add3A_37 = arith.addi %mul3A_2, %add3A_36 : i32
    %dma_start3A_38 = arith.constant 0 : i32
    %dma_start3A_39 = arith.constant 0 : i32
    %dma_start3A_40 = arith.constant 0 : i32
    %dma_start3A_41 = tpu.memref_slice %arg6[%dma_start3A_38, %dma_start3A_39, %dma_start3A_40] : memref<2x8x4096xf32, #tpu.memory_space<vmem>> -> memref<1x8x4096xf32, #tpu.memory_space<vmem>>
    %dma_start3A_42 = tpu.memref_squeeze %dma_start3A_41 : memref<1x8x4096xf32, #tpu.memory_space<vmem>> -> memref<8x4096xf32, #tpu.memory_space<vmem>>
    %dma_start3A_43 = arith.constant 0 : i32
    %dma_start3A_44 = tpu.memref_slice %arg4[%add3A_37, %dma_start3A_43] : memref<8192x4096xf32, #tpu.memory_space<hbm>> -> memref<8x4096xf32, #tpu.memory_space<hbm>>
    %dma_start3A_45 = arith.constant 0 : i32
    %dma_start3A_46 = tpu.memref_slice %arg4[%add3A_37, %dma_start3A_45] : memref<8192x4096xf32, #tpu.memory_space<hbm>> -> memref<8x4096xf32, #tpu.memory_space<hbm>>
    %dma_start3A_47 = arith.constant 0 : i32
    %dma_start3A_48 = arith.constant 0 : i32
    %dma_start3A_49 = tpu.memref_slice %arg6[%dma_start3A_38, %dma_start3A_47, %dma_start3A_48] : memref<2x8x4096xf32, #tpu.memory_space<vmem>> -> memref<1x8x4096xf32, #tpu.memory_space<vmem>>
    %dma_start3A_50 = tpu.memref_squeeze %dma_start3A_49 : memref<1x8x4096xf32, #tpu.memory_space<vmem>> -> memref<8x4096xf32, #tpu.memory_space<vmem>>
    tpu.enqueue_dma source(%dma_start3A_50 : memref<8x4096xf32, #tpu.memory_space<vmem>>) target(%dma_start3A_46 : memref<8x4096xf32, #tpu.memory_space<hbm>>) target_semaphore(%arg9 : memref<!tpu.dma_semaphore, #tpu.memory_space<semaphore_mem>>)
    %dma_wait3A_51 = arith.constant 1 : i32
    %dma_wait3A_52 = arith.constant 0 : i32
    %dma_wait3A_53 = arith.constant 0 : i32
    %dma_wait3A_54 = tpu.memref_slice %arg6[%dma_wait3A_51, %dma_wait3A_52, %dma_wait3A_53] : memref<2x8x4096xf32, #tpu.memory_space<vmem>> -> memref<1x8x4096xf32, #tpu.memory_space<vmem>>
    %dma_wait3A_55 = tpu.memref_squeeze %dma_wait3A_54 : memref<1x8x4096xf32, #tpu.memory_space<vmem>> -> memref<8x4096xf32, #tpu.memory_space<vmem>>
    %dma_wait3A_56 = arith.constant 0 : i32
    %dma_wait3A_57 = tpu.memref_slice %arg5[%dma_wait3A_56] : memref<256xi32, #tpu.memory_space<vmem>> -> memref<8xi32, #tpu.memory_space<vmem>>
    %dma_wait3A_58 = arith.constant 0 : i32
    %dma_wait3A_59 = arith.constant 0 : i32
    %dma_wait3A_60 = tpu.memref_slice %arg2[%dma_wait3A_58, %dma_wait3A_59] : memref<65024x4096xf32, #tpu.memory_space<hbm>> -> memref<65024x4096xf32, #tpu.memory_space<hbm>>
    tpu.wait_indirect_dma semaphore(%arg8 : memref<!tpu.dma_semaphore, #tpu.memory_space<semaphore_mem>>) src(%dma_wait3A_60 : memref<65024x4096xf32, #tpu.memory_space<hbm>>) dst(%dma_wait3A_55 : memref<8x4096xf32, #tpu.memory_space<vmem>>)
    %add3A_61 = arith.constant 248 : i32
    %add3A_62 = arith.addi %mul3A_2, %add3A_61 : i32
    %dma_start3A_63 = arith.constant 1 : i32
    %dma_start3A_64 = arith.constant 0 : i32
    %dma_start3A_65 = arith.constant 0 : i32
    %dma_start3A_66 = tpu.memref_slice %arg6[%dma_start3A_63, %dma_start3A_64, %dma_start3A_65] : memref<2x8x4096xf32, #tpu.memory_space<vmem>> -> memref<1x8x4096xf32, #tpu.memory_space<vmem>>
    %dma_start3A_67 = tpu.memref_squeeze %dma_start3A_66 : memref<1x8x4096xf32, #tpu.memory_space<vmem>> -> memref<8x4096xf32, #tpu.memory_space<vmem>>
    %dma_start3A_68 = arith.constant 0 : i32
    %dma_start3A_69 = tpu.memref_slice %arg4[%add3A_62, %dma_start3A_68] : memref<8192x4096xf32, #tpu.memory_space<hbm>> -> memref<8x4096xf32, #tpu.memory_space<hbm>>
    %dma_start3A_70 = arith.constant 0 : i32
    %dma_start3A_71 = tpu.memref_slice %arg4[%add3A_62, %dma_start3A_70] : memref<8192x4096xf32, #tpu.memory_space<hbm>> -> memref<8x4096xf32, #tpu.memory_space<hbm>>
    %dma_start3A_72 = arith.constant 0 : i32
    %dma_start3A_73 = arith.constant 0 : i32
    %dma_start3A_74 = tpu.memref_slice %arg6[%dma_start3A_63, %dma_start3A_72, %dma_start3A_73] : memref<2x8x4096xf32, #tpu.memory_space<vmem>> -> memref<1x8x4096xf32, #tpu.memory_space<vmem>>
    %dma_start3A_75 = tpu.memref_squeeze %dma_start3A_74 : memref<1x8x4096xf32, #tpu.memory_space<vmem>> -> memref<8x4096xf32, #tpu.memory_space<vmem>>
    tpu.enqueue_dma source(%dma_start3A_75 : memref<8x4096xf32, #tpu.memory_space<vmem>>) target(%dma_start3A_71 : memref<8x4096xf32, #tpu.memory_space<hbm>>) target_semaphore(%arg10 : memref<!tpu.dma_semaphore, #tpu.memory_space<semaphore_mem>>)
    %dma_wait3A_76 = arith.constant 0 : i32
    %dma_wait3A_77 = arith.constant 0 : i32
    %dma_wait3A_78 = arith.constant 0 : i32
    %dma_wait3A_79 = tpu.memref_slice %arg6[%dma_wait3A_76, %dma_wait3A_77, %dma_wait3A_78] : memref<2x8x4096xf32, #tpu.memory_space<vmem>> -> memref<1x8x4096xf32, #tpu.memory_space<vmem>>
    %dma_wait3A_80 = tpu.memref_squeeze %dma_wait3A_79 : memref<1x8x4096xf32, #tpu.memory_space<vmem>> -> memref<8x4096xf32, #tpu.memory_space<vmem>>
    %dma_wait3A_81 = arith.constant 0 : i32
    %dma_wait3A_82 = arith.constant 0 : i32
    %dma_wait3A_83 = tpu.memref_slice %arg4[%dma_wait3A_81, %dma_wait3A_82] : memref<8192x4096xf32, #tpu.memory_space<hbm>> -> memref<8x4096xf32, #tpu.memory_space<hbm>>
    %dma_wait3A_84 = arith.constant 0 : i32
    %dma_wait3A_85 = arith.constant 0 : i32
    %dma_wait3A_86 = tpu.memref_slice %arg4[%dma_wait3A_84, %dma_wait3A_85] : memref<8192x4096xf32, #tpu.memory_space<hbm>> -> memref<8x4096xf32, #tpu.memory_space<hbm>>
    %dma_wait3A_87 = arith.constant 0 : i32
    %dma_wait3A_88 = arith.constant 0 : i32
    %dma_wait3A_89 = tpu.memref_slice %arg6[%dma_wait3A_76, %dma_wait3A_87, %dma_wait3A_88] : memref<2x8x4096xf32, #tpu.memory_space<vmem>> -> memref<1x8x4096xf32, #tpu.memory_space<vmem>>
    %dma_wait3A_90 = tpu.memref_squeeze %dma_wait3A_89 : memref<1x8x4096xf32, #tpu.memory_space<vmem>> -> memref<8x4096xf32, #tpu.memory_space<vmem>>
    tpu.wait_dma2 semaphore(%arg9 : memref<!tpu.dma_semaphore, #tpu.memory_space<semaphore_mem>>) src(%dma_wait3A_90 : memref<8x4096xf32, #tpu.memory_space<vmem>>) dst(%dma_wait3A_86 : memref<8x4096xf32, #tpu.memory_space<hbm>>)
    %dma_wait3A_91 = arith.constant 1 : i32
    %dma_wait3A_92 = arith.constant 0 : i32
    %dma_wait3A_93 = arith.constant 0 : i32
    %dma_wait3A_94 = tpu.memref_slice %arg6[%dma_wait3A_91, %dma_wait3A_92, %dma_wait3A_93] : memref<2x8x4096xf32, #tpu.memory_space<vmem>> -> memref<1x8x4096xf32, #tpu.memory_space<vmem>>
    %dma_wait3A_95 = tpu.memref_squeeze %dma_wait3A_94 : memref<1x8x4096xf32, #tpu.memory_space<vmem>> -> memref<8x4096xf32, #tpu.memory_space<vmem>>
    %dma_wait3A_96 = arith.constant 0 : i32
    %dma_wait3A_97 = arith.constant 0 : i32
    %dma_wait3A_98 = tpu.memref_slice %arg4[%dma_wait3A_96, %dma_wait3A_97] : memref<8192x4096xf32, #tpu.memory_space<hbm>> -> memref<8x4096xf32, #tpu.memory_space<hbm>>
    %dma_wait3A_99 = arith.constant 0 : i32
    %dma_wait3A_100 = arith.constant 0 : i32
    %dma_wait3A_101 = tpu.memref_slice %arg4[%dma_wait3A_99, %dma_wait3A_100] : memref<8192x4096xf32, #tpu.memory_space<hbm>> -> memref<8x4096xf32, #tpu.memory_space<hbm>>
    %dma_wait3A_102 = arith.constant 0 : i32
    %dma_wait3A_103 = arith.constant 0 : i32
    %dma_wait3A_104 = tpu.memref_slice %arg6[%dma_wait3A_91, %dma_wait3A_102, %dma_wait3A_103] : memref<2x8x4096xf32, #tpu.memory_space<vmem>> -> memref<1x8x4096xf32, #tpu.memory_space<vmem>>
    %dma_wait3A_105 = tpu.memref_squeeze %dma_wait3A_104 : memref<1x8x4096xf32, #tpu.memory_space<vmem>> -> memref<8x4096xf32, #tpu.memory_space<vmem>>
    tpu.wait_dma2 semaphore(%arg10 : memref<!tpu.dma_semaphore, #tpu.memory_space<semaphore_mem>>) src(%dma_wait3A_105 : memref<8x4096xf32, #tpu.memory_space<vmem>>) dst(%dma_wait3A_101 : memref<8x4096xf32, #tpu.memory_space<hbm>>)
    return
  }
}

module attributes {stable_mosaic.version = 14 : i64} {
  func.func @body(%arg0: memref<4096x64xf32, #tpu.memory_space<vmem>>) attributes {dimension_semantics = [], scalar_prefetch = 0 : i64, scratch_operands = 0 : i64, tpu.core_type = #tpu.core_type<tc>} {
    %iota3A = tpu.iota {dimensions = array<i32: 0>} : vector<4096x64xi32>
    %convert_element_type3A = arith.sitofp %iota3A : vector<4096x64xi32> to vector<4096x64xf32>
    %iota3A_0 = tpu.iota {dimensions = array<i32: 1>} : vector<4096x64xi32>
    %jit3A = arith.constant 2 : i32
    %div3A = vector.broadcast %jit3A : i32 to vector<4096x64xi32>
    %div3A_1 = arith.divsi %iota3A_0, %div3A : vector<4096x64xi32>
    %sign3A = arith.constant 0 : i32
    %sign3A_2 = vector.broadcast %sign3A : i32 to vector<4096x64xi32>
    %sign3A_3 = arith.cmpi sgt, %iota3A_0, %sign3A_2 : vector<4096x64xi32>
    %sign3A_4 = arith.extui %sign3A_3 : vector<4096x64xi1> to vector<4096x64xi32>
    %sign3A_5 = arith.constant 0 : i32
    %sign3A_6 = vector.broadcast %sign3A_5 : i32 to vector<4096x64xi32>
    %sign3A_7 = arith.cmpi slt, %iota3A_0, %sign3A_6 : vector<4096x64xi32>
    %sign3A_8 = arith.extui %sign3A_7 : vector<4096x64xi1> to vector<4096x64xi32>
    %sign3A_9 = arith.subi %sign3A_4, %sign3A_8 : vector<4096x64xi32>
    %sign3A_10 = arith.constant 0 : i32
    %sign3A_11 = arith.cmpi sgt, %jit3A, %sign3A_10 : i32
    %sign3A_12 = arith.extui %sign3A_11 : i1 to i32
    %sign3A_13 = arith.constant 0 : i32
    %sign3A_14 = arith.cmpi slt, %jit3A, %sign3A_13 : i32
    %sign3A_15 = arith.extui %sign3A_14 : i1 to i32
    %sign3A_16 = arith.subi %sign3A_12, %sign3A_15 : i32
    %ne3A = vector.broadcast %sign3A_16 : i32 to vector<4096x64xi32>
    %ne3A_17 = arith.cmpi ne, %sign3A_9, %ne3A : vector<4096x64xi32>
    %rem3A = vector.broadcast %jit3A : i32 to vector<4096x64xi32>
    %rem3A_18 = arith.remsi %iota3A_0, %rem3A : vector<4096x64xi32>
    %ne3A_19 = arith.constant 0 : i32
    %ne3A_20 = vector.broadcast %ne3A_19 : i32 to vector<4096x64xi32>
    %ne3A_21 = arith.cmpi ne, %rem3A_18, %ne3A_20 : vector<4096x64xi32>
    %and3A = arith.andi %ne3A_17, %ne3A_21 : vector<4096x64xi1>
    %sub3A = arith.constant 1 : i32
    %sub3A_22 = vector.broadcast %sub3A : i32 to vector<4096x64xi32>
    %sub3A_23 = arith.subi %div3A_1, %sub3A_22 : vector<4096x64xi32>
    %select_n3A = arith.select %and3A, %sub3A_23, %div3A_1 : vector<4096x64xi1>, vector<4096x64xi32>
    %convert_element_type3A_24 = arith.sitofp %select_n3A : vector<4096x64xi32> to vector<4096x64xf32>
    %mul3A = arith.constant -0.287823141 : f32
    %mul3A_25 = vector.broadcast %mul3A : f32 to vector<4096x64xf32>
    %mul3A_26 = arith.mulf %convert_element_type3A_24, %mul3A_25 : vector<4096x64xf32>
    %exp3A = math.exp %mul3A_26 : vector<4096x64xf32>
    %mul3A_27 = arith.mulf %convert_element_type3A, %exp3A : vector<4096x64xf32>
    %jit3A_28 = arith.constant 2 : i32
    %eq3A = arith.constant 0 : i32
    %eq3A_29 = arith.cmpi eq, %jit3A_28, %eq3A : i32
    %jit3A_30 = arith.constant 1 : i32
    %select_n3A_31 = arith.select %eq3A_29, %jit3A_30, %jit3A_28 : i32
    %rem3A_32 = vector.broadcast %select_n3A_31 : i32 to vector<4096x64xi32>
    %rem3A_33 = arith.remsi %iota3A_0, %rem3A_32 : vector<4096x64xi32>
    %ne3A_34 = arith.constant 0 : i32
    %ne3A_35 = vector.broadcast %ne3A_34 : i32 to vector<4096x64xi32>
    %ne3A_36 = arith.cmpi ne, %rem3A_33, %ne3A_35 : vector<4096x64xi32>
    %lt3A = arith.constant 0 : i32
    %lt3A_37 = vector.broadcast %lt3A : i32 to vector<4096x64xi32>
    %lt3A_38 = arith.cmpi slt, %rem3A_33, %lt3A_37 : vector<4096x64xi32>
    %lt3A_39 = arith.constant 0 : i32
    %lt3A_40 = arith.cmpi slt, %select_n3A_31, %lt3A_39 : i32
    %ne3A_41 = vector.broadcast %lt3A_40 : i1 to vector<4096x64xi1>
    %ne3A_42 = vector.broadcast %ne3A_41 : vector<4096x64xi1> to vector<4096x64xi1>
    %ne3A_43 = arith.xori %lt3A_38, %ne3A_42 : vector<4096x64xi1>
    %and3A_44 = arith.andi %ne3A_43, %ne3A_36 : vector<4096x64xi1>
    %add3A = vector.broadcast %select_n3A_31 : i32 to vector<4096x64xi32>
    %add3A_45 = arith.addi %rem3A_33, %add3A : vector<4096x64xi32>
    %select_n3A_46 = arith.select %and3A_44, %add3A_45, %rem3A_33 : vector<4096x64xi1>, vector<4096x64xi32>
    %eq3A_47 = arith.constant 0 : i32
    %eq3A_48 = vector.broadcast %eq3A_47 : i32 to vector<4096x64xi32>
    %eq3A_49 = arith.cmpi eq, %select_n3A_46, %eq3A_48 : vector<4096x64xi32>
    %cos3A = math.cos %mul3A_27 : vector<4096x64xf32>
    %sin3A = math.sin %mul3A_27 : vector<4096x64xf32>
    %select_n3A_50 = arith.select %eq3A_49, %cos3A, %sin3A : vector<4096x64xi1>, vector<4096x64xf32>
    %swap3A = arith.constant 0 : index
    %swap3A_51 = arith.constant 0 : index
    %swap3A_52 = vector.load %arg0[%swap3A, %swap3A_51] : memref<4096x64xf32, #tpu.memory_space<vmem>>, vector<4096x64xf32>
    tpu.vector_store %arg0[%swap3A, %swap3A_51], %select_n3A_50 {strides = array<i32>} : memref<4096x64xf32, #tpu.memory_space<vmem>>, vector<4096x64xf32>,
    return
  }
}

</mosaic_0001>

<sc_bundles>
// kernel: kernel.4.cloned.1.call-start
scs
__scs_entry_jumppad:
0x0: {  	(pc) =	sbr.rel $0x88, $3  }
0x1: {  	(tag) =	ssettag $0x0;
	lr =	simm.s32 $0x1  }
0x2: {  	[smem:$0x3F9E] =	sst lr;
	_ =	strace $0xD0000000  }
0x3: {  	_ = 	snop  }
0x4: {  	_ = 	snop  }
0x5: {  	_ = 	snop  }
0x6: {  	_ = 	snop  }
0x7: {  	_ = 	snop  }
__scs_overlays_trampoline_lowered:
0x8: {  	[smem:$0x3FAD] =	sst s0  }
0x9: {  	[smem:$0x3FAE] =	sst s1  }
0xa: {  	[smem:$0x3FAF] =	sst s2  }
0xb: {  	[smem:$0x3FB0] =	sst s3  }
0xc: {  	[smem:$0x3FB1] =	sst s4  }
0xd: {  	[smem:$0x3FB2] =	sst s5  }
0xe: {  	[smem:$0x3FB3] =	sst s6  }
0xf: {  	[smem:$0x3FB4] =	sst s7  }
0x10: {  	[smem:$0x3FB5] =	sst s8  }
0x11: {  	[smem:$0x3FB6] =	sst s9;
	s0 =	simm.s32 @!p0 $0x0  }
0x12: {  	s1 =	sld [smem:$0x3F9C];
	s0 =	simm.s32 @p0 $0x1  }
0x13: {  	[smem:$0x3FB7] =	sst s0;
	s0 =	simm.s32 @!p1 $0x0  }
0x14: {  	s2 =	sld [smem:$0x3F9B];
	s0 =	simm.s32 @p1 $0x1  }
0x15: {  	[smem:$0x3FB8] =	sst s0;
	s0 =	simm.s32 @!p2 $0x0  }
0x16: {  	s3 =	sld [smem:$0x3FDB];
	s0 =	simm.s32 @p2 $0x1  }
0x17: {  	s4 =	simm.s32 $0x1BF5;
	[smem:$0x3FBA] =	sst s0  }
0x18: {  	s0 =	sld [smem:$0x3F9D];
	_ =	swait.ge [sflag:s4], $0x0  }
0x19: {  	s7 =	sld [smem:$0x3F9E]  }
0x1a: {  	s8 =	sadd.s32 $0xFFFFE003, lr  }
0x1b: {  	s9 =	sadd.s32 $0xFFFFFEF7, lr;
	s5 =	simm.s32 $0xFFFFFFFF;
	p2 =	slt.u32 s8, $0xFFFFF086  }
0x1c: {  	p1 =	slt.u32 s9, $0xF7A;
	s5 =	simm.s32 @!p2 $0x0  }
0x1d: {  	s5 =	simm.s32 @p1 $0x1;
	p0 =	seq.s32 s7, s2  }
0x1e: {  	s7 =	smul.u32 @!p0 $0xF7A, s2;
	p2 =	seq.s32 @!p0 s5, $0x0  }
0x1f: {  	s9 =	smul.u32 $0xF7A, s1;
	s8 =	simm.s32 @!p0 $0x1BF5;
	p2 =	por !p2, p0  }
0x20: {  	[sflag:s8] =	ssyncset.s32 @!p0 $0xFFFFF086;
	s6 =	sadd.s32 @!p0 s3, s7;
	s7 =	simm.s32 @!p0 $0x108  }
0x21: {  	s3 =	sadd.s32 s3, s9;
	s6 =	sadd.s32 @!p0 $0x88, s6;
	s7 =	simm.s32 @p2 $0x1082  }
0x22: {  	[simem:s7], [sflag:s8] =	dma.local @!p0 [hbm:s6], $0xF7A  }
0x23: {  	s9 =	sor.u32 $0xD0000000, s2;
	s6 =	simm.s32 $0x108;
	_ =	swait.ge @!p0 [sflag:s8], $0x0  }
0x24: {  	s3 =	sadd.s32 $0x88, s3;
	s6 =	simm.s32 @!p1 $0x1082;
	[sflag:s4] =	ssyncset.s32 $0xFFFFF086  }
0x25: {  	[simem:s6], [sflag:s4] =	dma.local [hbm:s3], $0xF7A  }
0x26: {  	[smem:$0x3F9E] =	sst s1;
	(tag) =	ssettag s2;
	_ =	strace s9  }
0x27: {  	s1 =	sld [smem:$0x3FAE]  }
0x28: {  	s2 =	sld [smem:$0x3FAF]  }
0x29: {  	s4 =	sld [smem:$0x3FB1]  }
0x2a: {  	p0 =	seq.s32 s5, $0x0;
	s5 =	sld [smem:$0x3FB2]  }
0x2b: {  	s6 =	sld [smem:$0x3FB3]  }
0x2c: {  	s7 =	sld [smem:$0x3FB4]  }
0x2d: {  	s3 =	simm.s32 $0x108;
	s8 =	sld [smem:$0x3FB5]  }
0x2e: {  	s3 =	simm.s32 @!p0 $0x1082;
	s9 =	sld [smem:$0x3FB6]  }
0x2f: {  	lr =	sadd.s32 s0, s3;
	s0 =	sld [smem:$0x3FAD]  }
0x30: {  	s3 =	sld [smem:$0x3FB0]  }
0x31: {  	[smem:$0x3FB9] =	sst s10  }
0x32: {  	s10 =	sld [smem:$0x3FB7];
	_ =	sdelay $0x3  }
0x33: {  	p0 =	seq.s32 s10, $0x1;
	s10 =	sld [smem:$0x3FB9];
	_ =	sdelay $0x3  }
0x34: {  	[smem:$0x3FB9] =	sst s10  }
0x35: {  	s10 =	sld [smem:$0x3FB8];
	_ =	sdelay $0x3  }
0x36: {  	p1 =	seq.s32 s10, $0x1;
	s10 =	sld [smem:$0x3FB9];
	_ =	sdelay $0x3  }
0x37: {  	[smem:$0x3FB9] =	sst s10  }
0x38: {  	s10 =	sld [smem:$0x3FBA]  }
0x39: {  	_ = 	snop;
	(pc) =	sbr.ind lr, $3  }
0x3a: {  	_ = 	snop  }
0x3b: {  	_ = 	snop  }
0x3c: {  	p2 =	seq.s32 s10, $0x1;
	s10 =	sld [smem:$0x3FB9]  }
0x3d: {  	_ =	shalt  }
0x3e: {  	_ =	shalt  }
0x3f: {  	_ =	shalt  }
0x40: {  	_ =	shalt  }
0x41: {  	_ =	shalt  }
0x42: {  	_ =	shalt  }
0x43: {  	_ =	shalt  }
0x44: {  	_ =	shalt  }
0x45: {  	_ =	shalt  }
0x46: {  	_ =	shalt  }
0x47: {  	_ =	shalt  }
0x48: {  	_ =	shalt  }
0x49: {  	_ =	shalt  }
0x4a: {  	_ =	shalt  }
0x4b: {  	_ =	shalt  }
0x4c: {  	_ =	shalt  }
0x4d: {  	_ =	shalt  }
0x4e: {  	_ =	shalt  }
0x4f: {  	_ =	shalt  }
0x50: {  	_ =	shalt  }
0x51: {  	_ =	shalt  }
0x52: {  	_ =	shalt  }
0x53: {  	_ =	shalt  }
0x54: {  	_ =	shalt  }
0x55: {  	_ =	shalt  }
0x56: {  	_ =	shalt  }
0x57: {  	_ =	shalt  }
0x58: {  	_ =	shalt  }
0x59: {  	_ =	shalt  }
0x5a: {  	_ =	shalt  }
0x5b: {  	_ =	shalt  }
0x5c: {  	_ =	shalt  }
0x5d: {  	_ =	shalt  }
0x5e: {  	_ =	shalt  }
0x5f: {  	_ =	shalt  }
0x60: {  	_ =	shalt  }
0x61: {  	_ =	shalt  }
0x62: {  	_ =	shalt  }
0x63: {  	_ =	shalt  }
0x64: {  	_ =	shalt  }
0x65: {  	_ =	shalt  }
0x66: {  	_ =	shalt  }
0x67: {  	_ =	shalt  }
0x68: {  	_ =	shalt  }
0x69: {  	_ =	shalt  }
0x6a: {  	_ =	shalt  }
0x6b: {  	_ =	shalt  }
0x6c: {  	_ =	shalt  }
0x6d: {  	_ =	shalt  }
0x6e: {  	_ =	shalt  }
0x6f: {  	_ =	shalt  }
0x70: {  	_ =	shalt  }
0x71: {  	_ =	shalt  }
0x72: {  	_ =	shalt  }
0x73: {  	_ =	shalt  }
0x74: {  	_ =	shalt  }
0x75: {  	_ =	shalt  }
0x76: {  	_ =	shalt  }
0x77: {  	_ =	shalt  }
0x78: {  	_ =	shalt  }
0x79: {  	_ =	shalt  }
0x7a: {  	_ =	shalt  }
0x7b: {  	_ =	shalt  }
0x7c: {  	_ =	shalt  }
0x7d: {  	_ =	shalt  }
0x7e: {  	_ =	shalt  }
0x7f: {  	_ =	shalt  }
0x80: {  	_ =	shalt  }
0x81: {  	_ =	shalt  }
0x82: {  	_ =	shalt  }
0x83: {  	_ =	shalt  }
0x84: {  	_ =	shalt  }
0x85: {  	_ =	shalt  }
0x86: {  	_ =	shalt  }
0x87: {  	_ =	shalt  }
.Lfunc_end0:
.L_simem_size_0:
called_computation_lowered:
.L_overlay_start_0:
0x88: {  	s2 =	sld [smem:$0x3FD9]  }
0x89: {  	s3 =	sld [smem:$0x3FFE];
	_ =	sdelay $0x1  }
0x8a: {  	s1 =	srdreg.scid  }
0x8b: {  	s0 =	sand.u32 $0x1, s1  }
0x8c: {  	s14 =	sshll.u32 s0, $0xA;
	s2 =	sadd.s32 s3, s2  }
0x8d: {  	s2 =	sadd.s32 s2, s14  }
0x8e: {  	[smem:$0x3FC5] =	sst s2  }
0x8f: {  	_ = 	snop  }
0x90: {  	s2 =	sld [smem:$0x3FD0];
	_ =	sdelay $0x2  }
0x91: {  	s4 =	simm.s32 $0xA;
	s5 =	simm.s32 $0x10;
	s15 =	sld [smem:$0x3FC7]  }
0x92: {  	[smem:s5], [sflag:s4] =	dma.local [hbm:s2], $0x1  }
0x93: {  	_ =	swait.eq [sflag:s4], $0x1  }
0x94: {  	[sflag:s4] =	ssyncset.done $0x0  }
0x95: {  	[sflag:s4] =	ssyncadd.s32 $0xFFFFFFFF  }
0x96: {  	s16 =	sld [smem:$0x12];
	(tm) =	ssettm $0x1  }
0x97: {  	s17 =	sld [smem:$0x3FFB];
	_ =	sdelay $0x3  }
0x98: {  	_ =	strace s17  }
0x99: {  	s4 =	sld [smem:$0x3FFC];
	_ =	sdelay $0x3  }
0x9a: {  	_ =	strace s4  }
0x9b: {  	s4 =	sld [smem:$0x3FFD];
	_ =	sdelay $0x3  }
0x9c: {  	_ =	strace s4  }
0x9d: {  	_ =	strace $0x8FFFFFFF  }
0x9e: {  	s18 =	sld [smem:$0x3FDB];
	_ =	sdelay $0x1  }
0x9f: {  	s19 =	simm.s32 $_scs_section_size  }
0xa0: {  	s6 =	simm.s32 $_size__tile_overlayer_lowered;
	s7 =	simm.s32 $_tile_overlayer_lowered  }
0xa1: {  	s22 =	simm.s32 $0x1BFF;
	s21 =	sshll.u32 s7, $0x1;
	s4 =	sadd.s32 s19, s18  }
0xa2: {  	s8 =	simm.s32 $0x0;
	s20 =	sshll.u32 s6, $0x1;
	s6 =	sadd.s32 s21, s4  }
0xa3: {  	[timem:s8], [sflag:s22] =	dma.local [hbm:s6], s20  }
0xa4: {  	_ =	swait.ge [sflag:s22], s20  }
0xa5: {  	s5 =	ssub.s32 $0x0, s20;
	[sflag:s22] =	ssyncset.done $0x0  }
0xa6: {  	[sflag:s22] =	ssyncadd.s32 s5;
	_ =	sdelay $0x1  }
0xa7: {  	s23 =	simm.s32 $0x1B8B  }
0xa8: {  	_ =	swait.ge [sflag:s23], $0x1  }
0xa9: {  	[sflag:s23] =	ssyncset.done $0x0  }
0xaa: {  	s25 =	simm.s32 $0x1B8E;
	s24 =	sld [smem:$0x3FFE];
	[sflag:s23] =	ssyncadd.s32 $0xFFFFFFFF  }
0xab: {  	s26 =	simm.s32 $execute0_lowered;
	[smem:$0x3FD2] =	sst s25  }
0xac: {  	s6 =	sshll.u32 s26, $0x1;
	_ =	strace $0x80000046;
	[dreg:$0x1] =	wrdreg $0xFFFFFFFF  }
0xad: {  	s28 =	simm.s32 $_size_execute0_lowered;
	s4 =	sadd.s32 s4, s6;
	[dreg:$0x0] =	wrdreg $0x0  }
0xae: {  	s6 =	sshll.u32 s28, $0x1;
	[dreg:$0x2] =	wrdreg s4  }
0xaf: {  	[dreg:$0x3] =	wrdreg s6  }
0xb0: {  	[dreg:$0x4] =	wrdreg $0xC0  }
0xb1: {  	_ =	task [dreg:s8], $0x5FFFF  }
0xb2: {  	[dreg:$0x1] =	wrdreg $0xFFFFFFFF  }
0xb3: {  	[dreg:$0x0] =	wrdreg $0x60  }
0xb4: {  	[dreg:$0x2] =	wrdreg s15  }
0xb5: {  	[dreg:$0x3] =	wrdreg s16  }
0xb6: {  	[dreg:$0x4] =	wrdreg s24  }
0xb7: {  	[dreg:$0x5] =	wrdreg $0x9  }
0xb8: {  	_ =	task.clear_ibuf [dreg:s8], $0x6FFFF;
	_ =	strace $0x90000046  }
0xb9: {  	s29 =	simm.s32 $0x9;
	_ =	strace $0x80000048  }
0xba: {  	_ =	swait.ge [sflag:s29], $0x1  }
0xbb: {  	[sflag:s29] =	ssyncadd.s32 $0xFFFFFFFF  }
0xbc: {  	_ =	strace $0x90000048  }
0xbd: {  	_ =	sfence  }
0xbe: {  	s30 =	sld [smem:$0x0];
	_ =	sdelay $0x2  }
0xbf: {  	s31 =	sshll.u32 s1, $0xD;
	s1 =	sshrl.u32 s1, $0x2  }
0xc0: {  	s3 =	sand.u32 $0x4000, s31;
	s1 =	sadd.s32 s1, s30  }
0xc1: {  	s0 =	sor.u32 s3, s0;
	s1 =	sshll.u32 s1, $0x11  }
0xc2: {  	s0 =	sor.u32 s1, s0  }
0xc3: {  	s0 =	sadd.s32 $0x8F2B, s0  }
0xc4: {  	[sflag:s0] =	ssyncadd.remote.s32 $0x1  }
0xc5: {  	_ =	sfence.sel $0xFFFF  }
0xc6: {  	[dreg:$0x0] =	wrdreg $0xFFFFFFFF;
	(pc) =	sbr.abs _section_cstart, $3  }
0xc7: {  	[dreg:$0x1] =	wrdreg $0xFFFFFFFF  }
0xc8: {  	_ =	task.clear_ibuf [dreg:s8], $0x2FFFF;
	_ =	strace $0x9FFFFFFF  }
0xc9: {  	(tm) =	ssettm $0x7FFFFFFF  }
tec
execute0_lowered:
.L_overlay_start_1:
0x0: {  	(tag) =	ssettag $0x1  }
0x1: {  	s31 =	rddreg [dreg:$0x0]  }
0x2: {  	s0 =	rddreg [dreg:$0x1]  }
0x3: {  	s2 =	rddreg [dreg:$0x2]  }
0x4: {  	s4 =	srdreg.scid;
	s3 =	simm.s32 $0x0;
	s22 =	stileid.u32  }
0x5: {  	s1 =	simm.s32 $0x100;
	s29 =	simm.s32 $0x2900;
	s30 =	simm.s32 $0x3100  }
0x6: {  	s28 =	simm.s32 $0x8100;
	s4 =	sand.u32 $0x1, s4;
	[smem:$0x7FF] =	sst s3  }
0x7: {  	s5 =	sshll.u32 s22, $0x9;
	s2 =	sadd.s32 $0x600, s2;
	s8 =	sadd.s32 $0x400, s31  }
0x8: {  	s9 =	sadd.s32 $0x500, s31;
	s10 =	sadd.s32 $0x600, s31;
	s11 =	sadd.s32 $0x700, s31  }
0x9: {  	s12 =	sadd.s32 $0x800, s31;
	s13 =	sadd.s32 $0x900, s31;
	s14 =	sadd.s32 $0xA00, s31  }
0xa: {  	s15 =	sadd.s32 $0xB00, s31;
	s16 =	sadd.s32 $0xC00, s31;
	s17 =	sadd.s32 $0xD00, s31  }
0xb: {  	s18 =	sadd.s32 $0xE00, s31;
	s23 =	sshll.u32 s22, $0x12;
	s22 =	sshll.u32 s22, $0x15  }
0xc: {  	s6 =	sshll.u32 s4, $0x8;
	_ =	strace $0x80000047;
	s7 =	ssub.s32 $0x2, s4  }
0xd: {  	s19 =	sor.u32 s6, s5;
	s20 =	sshrl.u32 s7, $0x1;
	s5 =	sadd.s32 $0x100, s31  }
0xe: {  	s6 =	sshrl.u32 s19, $0x3;
	s20 =	ssub.s32 s7, s20;
	s7 =	sadd.s32 $0x300, s31  }
0xf: {  	s21 =	sshll.u32 s19, $0x9;
	s19 =	sadd.s32 s23, s2;
	s23 =	simm.s32 $0x900  }
0x10: {  	s0 =	sadd.s32 s0, s6;
	s6 =	sadd.s32 $0x200, s31;
	s20 =	smax.u32 s20, $0x1  }
0x11: {  	[dreg:$0x6] =	wrdreg s0;
	s0 =	sadd.s32 s21, s2;
	s21 =	sshll.u32 s4, $0x11  }
0x12: {  	s4 =	sshll.u32 s4, $0x14;
	[dreg:$0x9] =	wrdreg s20;
	s20 =	simm.s32 $0x4  }
0x13: {  	s21 =	sadd.s32 s21, s19;
	s19 =	sadd.s32 $0xF00, s31;
	s24 =	sadd.s32 $0x1E000, s0  }
0x14: {  	s4 =	sor.u32 s4, s22;
	s0 =	sadd.s32 $0x1F000, s0;
	[dreg:$0x7] =	wrdreg s24  }
0x15: {  	s22 =	simm.s32 $0x1100;
	[dreg:$0x8] =	wrdreg s0;
	s25 =	sadd.s32 $0x1000, s21  }
0x16: {  	s4 =	sshrl.u32 s4, $0x3;
	s24 =	simm.s32 $0x3900;
	s0 =	simm.s32 $0x1  }
0x17: {  	v0 =	vlaneseq.u32;
	s21 =	simm.s32 $0x0;
	[dreg:$0x4] =	wrdreg s25;
	s26 =	sadd.s32 s4, s2  }
0x18: {  	v1 =	vshrl.u32 v0, $0x3;
	s25 =	simm.s32 $0x1900;
	s2 =	simm.s32 $0x2;
	[dreg:$0xa] =	wrdreg s21  }
0x19: {  	vm0 =	vmmov $0xffff;
	v0 =	vand.u32 $0x7, v0;
	v1 =	vmul.u32 $0x8, v1;
	s4 =	simm.s32 $0x3;
	[dreg:$0x5] =	wrdreg s26;
	s26 =	simm.s32 $0x2100  }
.LBB2_1:
0x1a: {  	s21 =	rddreg [dreg:$0x6]  }
0x1b: {  	[tilespmem:s3], [sflag:$0x5] =	stream.linear.gather [hbm4b:s21+s3], $0x100, $0x38;
	[tilespmem:$0x10100] =	vst v63  }
0x1c: {  	s21 =	simm.s32 $0x5  }
0x1d: {  	_ =	swait.ge [sflag:s21], $0x100  }
0x1e: {  	[sflag:s21] =	ssyncset.done $0x0  }
0x1f: {  	[sflag:s21] =	ssyncadd.s32 $0xFFFFFF00  }
0x20: {  	v2 =	vld.msk [tilespmem:$0x0], $0xff;
	_ =	sdelay $0x4  }
0x21: {  	v3 =	vshll.u32 v2, $0x5  }
0x22: {  	v2 =	vand.u32 $0x7, v2;
	v3 =	vand.u32 $0xFFFFFF00, v3  }
0x23: {  	v2 =	vor.u32 v2, v3  }
0x24: {  	v2 =	vperm.xlane v2, v0;
	_ =	sdelay $0x1  }
0x25: {  	v2 =	vadd.s32 v1, v2;
	_ =	sdelay $0x4  }
0x26: {  	[tilespmem:s1], [sflag:$0x1] =	stream.indirect_vreg.gather [hbm4b:s31+s3], $0x80, v2, vm0, $0xb8;
	[tilespmem:$0x10100] =	vst v63  }
0x27: {  	_ = 	snop  }
0x28: {  	[tilespmem:s23], [sflag:$0x1] =	stream.indirect_vreg.gather [hbm4b:s5+s3], $0x80, v2, vm0, $0xb8;
	[tilespmem:$0x10100] =	vst v63  }
0x29: {  	_ = 	snop  }
0x2a: {  	[tilespmem:s22], [sflag:$0x1] =	stream.indirect_vreg.gather [hbm4b:s6+s3], $0x80, v2, vm0, $0xb8;
	[tilespmem:$0x10100] =	vst v63  }
0x2b: {  	_ = 	snop  }
0x2c: {  	[tilespmem:s25], [sflag:$0x1] =	stream.indirect_vreg.gather [hbm4b:s7+s3], $0x80, v2, vm0, $0xb8;
	[tilespmem:$0x10100] =	vst v63  }
0x2d: {  	_ = 	snop  }
0x2e: {  	[tilespmem:s26], [sflag:$0x1] =	stream.indirect_vreg.gather [hbm4b:s8+s3], $0x80, v2, vm0, $0xb8;
	[tilespmem:$0x10100] =	vst v63  }
0x2f: {  	_ = 	snop  }
0x30: {  	[tilespmem:s29], [sflag:$0x1] =	stream.indirect_vreg.gather [hbm4b:s9+s3], $0x80, v2, vm0, $0xb8;
	[tilespmem:$0x10100] =	vst v63  }
0x31: {  	_ = 	snop  }
0x32: {  	[tilespmem:s30], [sflag:$0x1] =	stream.indirect_vreg.gather [hbm4b:s10+s3], $0x80, v2, vm0, $0xb8;
	[tilespmem:$0x10100] =	vst v63  }
0x33: {  	_ = 	snop  }
0x34: {  	[tilespmem:s24], [sflag:$0x1] =	stream.indirect_vreg.gather [hbm4b:s11+s3], $0x80, v2, vm0, $0xb8;
	[tilespmem:$0x10100] =	vst v63  }
0x35: {  	s23 =	simm.s32 $0x4100  }
0x36: {  	[tilespmem:s23], [sflag:$0x1] =	stream.indirect_vreg.gather [hbm4b:s12+s3], $0x80, v2, vm0, $0xb8;
	[tilespmem:$0x10100] =	vst v63  }
0x37: {  	s24 =	simm.s32 $0x4900  }
0x38: {  	[tilespmem:s24], [sflag:$0x1] =	stream.indirect_vreg.gather [hbm4b:s13+s3], $0x80, v2, vm0, $0xb8;
	[tilespmem:$0x10100] =	vst v63  }
0x39: {  	s25 =	simm.s32 $0x5100  }
0x3a: {  	[tilespmem:s25], [sflag:$0x1] =	stream.indirect_vreg.gather [hbm4b:s14+s3], $0x80, v2, vm0, $0xb8;
	[tilespmem:$0x10100] =	vst v63  }
0x3b: {  	s26 =	simm.s32 $0x5900  }
0x3c: {  	[tilespmem:s26], [sflag:$0x1] =	stream.indirect_vreg.gather [hbm4b:s15+s3], $0x80, v2, vm0, $0xb8;
	[tilespmem:$0x10100] =	vst v63  }
0x3d: {  	s21 =	simm.s32 $0x6100  }
0x3e: {  	[tilespmem:s21], [sflag:$0x1] =	stream.indirect_vreg.gather [hbm4b:s16+s3], $0x80, v2, vm0, $0xb8;
	[tilespmem:$0x10100] =	vst v63  }
0x3f: {  	s22 =	simm.s32 $0x6900  }
0x40: {  	[tilespmem:s22], [sflag:$0x1] =	stream.indirect_vreg.gather [hbm4b:s17+s3], $0x80, v2, vm0, $0xb8;
	[tilespmem:$0x10100] =	vst v63  }
0x41: {  	s23 =	simm.s32 $0x7100  }
0x42: {  	[tilespmem:s23], [sflag:$0x1] =	stream.indirect_vreg.gather [hbm4b:s18+s3], $0x80, v2, vm0, $0xb8;
	[tilespmem:$0x10100] =	vst v63  }
0x43: {  	s24 =	simm.s32 $0x7900  }
0x44: {  	[tilespmem:s24], [sflag:$0x1] =	stream.indirect_vreg.gather [hbm4b:s19+s3], $0x80, v2, vm0, $0xb8;
	[tilespmem:$0x10100] =	vst v63  }
0x45: {  	v2 =	vld.msk [tilespmem:$0x8], $0xff;
	_ =	sdelay $0x4  }
0x46: {  	v3 =	vshll.u32 v2, $0x5  }
0x47: {  	v2 =	vand.u32 $0x7, v2;
	v3 =	vand.u32 $0xFFFFFF00, v3  }
0x48: {  	v2 =	vor.u32 v2, v3  }
0x49: {  	v2 =	vperm.xlane v2, v0;
	_ =	sdelay $0x1  }
0x4a: {  	v2 =	vadd.s32 v1, v2;
	_ =	sdelay $0x4  }
0x4b: {  	[tilespmem:s28], [sflag:$0x2] =	stream.indirect_vreg.gather [hbm4b:s31+s3], $0x80, v2, vm0, $0xb8;
	[tilespmem:$0x10100] =	vst v63  }
0x4c: {  	s25 =	simm.s32 $0x8900  }
0x4d: {  	[tilespmem:s25], [sflag:$0x2] =	stream.indirect_vreg.gather [hbm4b:s5+s3], $0x80, v2, vm0, $0xb8;
	[tilespmem:$0x10100] =	vst v63  }
0x4e: {  	s26 =	simm.s32 $0x9100  }
0x4f: {  	[tilespmem:s26], [sflag:$0x2] =	stream.indirect_vreg.gather [hbm4b:s6+s3], $0x80, v2, vm0, $0xb8;
	[tilespmem:$0x10100] =	vst v63  }
0x50: {  	s21 =	simm.s32 $0x9900  }
0x51: {  	[tilespmem:s21], [sflag:$0x2] =	stream.indirect_vreg.gather [hbm4b:s7+s3], $0x80, v2, vm0, $0xb8;
	[tilespmem:$0x10100] =	vst v63  }
0x52: {  	s22 =	simm.s32 $0xA100  }
0x53: {  	[tilespmem:s22], [sflag:$0x2] =	stream.indirect_vreg.gather [hbm4b:s8+s3], $0x80, v2, vm0, $0xb8;
	[tilespmem:$0x10100] =	vst v63  }
0x54: {  	s23 =	simm.s32 $0xA900  }
0x55: {  	[tilespmem:s23], [sflag:$0x2] =	stream.indirect_vreg.gather [hbm4b:s9+s3], $0x80, v2, vm0, $0xb8;
	[tilespmem:$0x10100] =	vst v63  }
0x56: {  	s24 =	simm.s32 $0xB100  }
0x57: {  	[tilespmem:s24], [sflag:$0x2] =	stream.indirect_vreg.gather [hbm4b:s10+s3], $0x80, v2, vm0, $0xb8;
	[tilespmem:$0x10100] =	vst v63  }
0x58: {  	s25 =	simm.s32 $0xB900  }
0x59: {  	[tilespmem:s25], [sflag:$0x2] =	stream.indirect_vreg.gather [hbm4b:s11+s3], $0x80, v2, vm0, $0xb8;
	[tilespmem:$0x10100] =	vst v63  }
0x5a: {  	s26 =	simm.s32 $0xC100  }
0x5b: {  	[tilespmem:s26], [sflag:$0x2] =	stream.indirect_vreg.gather [hbm4b:s12+s3], $0x80, v2, vm0, $0xb8;
	[tilespmem:$0x10100] =	vst v63  }
0x5c: {  	s21 =	simm.s32 $0xC900  }
0x5d: {  	[tilespmem:s21], [sflag:$0x2] =	stream.indirect_vreg.gather [hbm4b:s13+s3], $0x80, v2, vm0, $0xb8;
	[tilespmem:$0x10100] =	vst v63  }
0x5e: {  	s22 =	simm.s32 $0xD100  }
0x5f: {  	[tilespmem:s22], [sflag:$0x2] =	stream.indirect_vreg.gather [hbm4b:s14+s3], $0x80, v2, vm0, $0xb8;
	[tilespmem:$0x10100] =	vst v63  }
0x60: {  	s23 =	simm.s32 $0xD900  }
0x61: {  	[tilespmem:s23], [sflag:$0x2] =	stream.indirect_vreg.gather [hbm4b:s15+s3], $0x80, v2, vm0, $0xb8;
	[tilespmem:$0x10100] =	vst v63  }
0x62: {  	s24 =	simm.s32 $0xE100  }
0x63: {  	[tilespmem:s24], [sflag:$0x2] =	stream.indirect_vreg.gather [hbm4b:s16+s3], $0x80, v2, vm0, $0xb8;
	[tilespmem:$0x10100] =	vst v63  }
0x64: {  	s29 =	simm.s32 $0x2100;
	s25 =	simm.s32 $0xE900  }
0x65: {  	[tilespmem:s25], [sflag:$0x2] =	stream.indirect_vreg.gather [hbm4b:s17+s3], $0x80, v2, vm0, $0xb8;
	[tilespmem:$0x10100] =	vst v63  }
0x66: {  	s30 =	simm.s32 $0xF900;
	s26 =	simm.s32 $0xF100;
	s21 =	simm.s32 $0x18  }
0x67: {  	[tilespmem:s26], [sflag:$0x2] =	stream.indirect_vreg.gather [hbm4b:s18+s3], $0x80, v2, vm0, $0xb8;
	[tilespmem:$0x10100] =	vst v63  }
0x68: {  	s22 =	simm.s32 $0x0;
	s24 =	simm.s32 $0x3100;
	s25 =	simm.s32 $0x1100  }
0x69: {  	[tilespmem:s30], [sflag:$0x2] =	stream.indirect_vreg.gather [hbm4b:s19+s3], $0x80, v2, vm0, $0xb8;
	[tilespmem:$0x10100] =	vst v63  }
.LBB2_2:
0x6a: {  	_ =	swait.ge [sflag:s0], $0x8000  }
0x6b: {  	s23 =	rddreg [dreg:$0x5];
	[sflag:s0] =	ssyncset.done $0x0  }
0x6c: {  	s26 =	simm.s32 $0x100;
	[sflag:s0] =	ssyncadd.s32 $0xFFFF8000;
	s23 =	sadd.s32 s22, s23  }
0x6d: {  	[hbm4b:s23+s3] =	stream.linear.scatter [tilespmem:s26], [sflag:$0x3], $0x8000, $0x38;
	[tilespmem:$0x10100] =	vst v63  }
0x6e: {  	_ =	swait.ge [sflag:s2], $0x8000  }
0x6f: {  	s1 =	rddreg [dreg:$0x4];
	[sflag:s2] =	ssyncset.done $0x0  }
0x70: {  	[sflag:s2] =	ssyncadd.s32 $0xFFFF8000;
	s23 =	sadd.s32 s22, s1  }
0x71: {  	[hbm4b:s23+s3] =	stream.linear.scatter [tilespmem:s28], [sflag:$0x4], $0x8000, $0x38;
	[tilespmem:$0x10100] =	vst v63  }
0x72: {  	_ =	swait.ge [sflag:s4], $0x8000  }
0x73: {  	[sflag:s4] =	ssyncset.done $0x0  }
0x74: {  	[sflag:s4] =	ssyncadd.s32 $0xFFFF8000  }
0x75: {  	v2 =	vld.msk [tilespmem:s21+$0xFFFFFFF8], $0xff;
	_ =	sdelay $0x4  }
0x76: {  	v3 =	vshll.u32 v2, $0x5  }
0x77: {  	v2 =	vand.u32 $0x7, v2;
	v3 =	vand.u32 $0xFFFFFF00, v3  }
0x78: {  	v2 =	vor.u32 v2, v3  }
0x79: {  	v2 =	vperm.xlane v2, v0;
	_ =	sdelay $0x1  }
0x7a: {  	v2 =	vadd.s32 v1, v2;
	_ =	sdelay $0x4  }
0x7b: {  	[tilespmem:s26], [sflag:$0x1] =	stream.indirect_vreg.gather [hbm4b:s31+s3], $0x80, v2, vm0, $0xb8;
	[tilespmem:$0x10100] =	vst v63  }
0x7c: {  	s23 =	simm.s32 $0x900  }
0x7d: {  	[tilespmem:s23], [sflag:$0x1] =	stream.indirect_vreg.gather [hbm4b:s5+s3], $0x80, v2, vm0, $0xb8;
	[tilespmem:$0x10100] =	vst v63  }
0x7e: {  	_ = 	snop  }
0x7f: {  	[tilespmem:s25], [sflag:$0x1] =	stream.indirect_vreg.gather [hbm4b:s6+s3], $0x80, v2, vm0, $0xb8;
	[tilespmem:$0x10100] =	vst v63  }
0x80: {  	s26 =	simm.s32 $0x1900  }
0x81: {  	[tilespmem:s26], [sflag:$0x1] =	stream.indirect_vreg.gather [hbm4b:s7+s3], $0x80, v2, vm0, $0xb8;
	[tilespmem:$0x10100] =	vst v63  }
0x82: {  	_ = 	snop  }
0x83: {  	[tilespmem:s29], [sflag:$0x1] =	stream.indirect_vreg.gather [hbm4b:s8+s3], $0x80, v2, vm0, $0xb8;
	[tilespmem:$0x10100] =	vst v63  }
0x84: {  	s26 =	simm.s32 $0x2900  }
0x85: {  	[tilespmem:s26], [sflag:$0x1] =	stream.indirect_vreg.gather [hbm4b:s9+s3], $0x80, v2, vm0, $0xb8;
	[tilespmem:$0x10100] =	vst v63  }
0x86: {  	_ = 	snop  }
0x87: {  	[tilespmem:s24], [sflag:$0x1] =	stream.indirect_vreg.gather [hbm4b:s10+s3], $0x80, v2, vm0, $0xb8;
	[tilespmem:$0x10100] =	vst v63  }
0x88: {  	s26 =	simm.s32 $0x3900  }
0x89: {  	[tilespmem:s26], [sflag:$0x1] =	stream.indirect_vreg.gather [hbm4b:s11+s3], $0x80, v2, vm0, $0xb8;
	[tilespmem:$0x10100] =	vst v63  }
0x8a: {  	s26 =	simm.s32 $0x4100  }
0x8b: {  	[tilespmem:s26], [sflag:$0x1] =	stream.indirect_vreg.gather [hbm4b:s12+s3], $0x80, v2, vm0, $0xb8;
	[tilespmem:$0x10100] =	vst v63  }
0x8c: {  	s26 =	simm.s32 $0x4900  }
0x8d: {  	[tilespmem:s26], [sflag:$0x1] =	stream.indirect_vreg.gather [hbm4b:s13+s3], $0x80, v2, vm0, $0xb8;
	[tilespmem:$0x10100] =	vst v63  }
0x8e: {  	s26 =	simm.s32 $0x5100  }
0x8f: {  	[tilespmem:s26], [sflag:$0x1] =	stream.indirect_vreg.gather [hbm4b:s14+s3], $0x80, v2, vm0, $0xb8;
	[tilespmem:$0x10100] =	vst v63  }
0x90: {  	s26 =	simm.s32 $0x5900  }
0x91: {  	[tilespmem:s26], [sflag:$0x1] =	stream.indirect_vreg.gather [hbm4b:s15+s3], $0x80, v2, vm0, $0xb8;
	[tilespmem:$0x10100] =	vst v63  }
0x92: {  	s26 =	simm.s32 $0x6100  }
0x93: {  	[tilespmem:s26], [sflag:$0x1] =	stream.indirect_vreg.gather [hbm4b:s16+s3], $0x80, v2, vm0, $0xb8;
	[tilespmem:$0x10100] =	vst v63  }
0x94: {  	s26 =	simm.s32 $0x6900  }
0x95: {  	[tilespmem:s26], [sflag:$0x1] =	stream.indirect_vreg.gather [hbm4b:s17+s3], $0x80, v2, vm0, $0xb8;
	[tilespmem:$0x10100] =	vst v63  }
0x96: {  	s26 =	simm.s32 $0x7100  }
0x97: {  	[tilespmem:s26], [sflag:$0x1] =	stream.indirect_vreg.gather [hbm4b:s18+s3], $0x80, v2, vm0, $0xb8;
	[tilespmem:$0x10100] =	vst v63  }
0x98: {  	s26 =	simm.s32 $0x7900  }
0x99: {  	[tilespmem:s26], [sflag:$0x1] =	stream.indirect_vreg.gather [hbm4b:s19+s3], $0x80, v2, vm0, $0xb8;
	[tilespmem:$0x10100] =	vst v63  }
0x9a: {  	_ =	swait.ge [sflag:s20], $0x8000  }
0x9b: {  	[sflag:s20] =	ssyncset.done $0x0  }
0x9c: {  	[sflag:s20] =	ssyncadd.s32 $0xFFFF8000  }
0x9d: {  	v2 =	vld.msk [tilespmem:s21+$0x0], $0xff;
	_ =	sdelay $0x4  }
0x9e: {  	v3 =	vshll.u32 v2, $0x5  }
0x9f: {  	v2 =	vand.u32 $0x7, v2;
	v3 =	vand.u32 $0xFFFFFF00, v3  }
0xa0: {  	v2 =	vor.u32 v2, v3  }
0xa1: {  	v2 =	vperm.xlane v2, v0;
	_ =	sdelay $0x1  }
0xa2: {  	v2 =	vadd.s32 v1, v2;
	_ =	sdelay $0x4  }
0xa3: {  	[tilespmem:s28], [sflag:$0x2] =	stream.indirect_vreg.gather [hbm4b:s31+s3], $0x80, v2, vm0, $0xb8;
	[tilespmem:$0x10100] =	vst v63  }
0xa4: {  	s26 =	simm.s32 $0x8900  }
0xa5: {  	[tilespmem:s26], [sflag:$0x2] =	stream.indirect_vreg.gather [hbm4b:s5+s3], $0x80, v2, vm0, $0xb8;
	[tilespmem:$0x10100] =	vst v63  }
0xa6: {  	s26 =	simm.s32 $0x9100  }
0xa7: {  	[tilespmem:s26], [sflag:$0x2] =	stream.indirect_vreg.gather [hbm4b:s6+s3], $0x80, v2, vm0, $0xb8;
	[tilespmem:$0x10100] =	vst v63  }
0xa8: {  	s26 =	simm.s32 $0x9900  }
0xa9: {  	[tilespmem:s26], [sflag:$0x2] =	stream.indirect_vreg.gather [hbm4b:s7+s3], $0x80, v2, vm0, $0xb8;
	[tilespmem:$0x10100] =	vst v63  }
0xaa: {  	s26 =	simm.s32 $0xA100  }
0xab: {  	[tilespmem:s26], [sflag:$0x2] =	stream.indirect_vreg.gather [hbm4b:s8+s3], $0x80, v2, vm0, $0xb8;
	[tilespmem:$0x10100] =	vst v63  }
0xac: {  	s26 =	simm.s32 $0xA900  }
0xad: {  	[tilespmem:s26], [sflag:$0x2] =	stream.indirect_vreg.gather [hbm4b:s9+s3], $0x80, v2, vm0, $0xb8;
	[tilespmem:$0x10100] =	vst v63  }
0xae: {  	s26 =	simm.s32 $0xB100  }
0xaf: {  	[tilespmem:s26], [sflag:$0x2] =	stream.indirect_vreg.gather [hbm4b:s10+s3], $0x80, v2, vm0, $0xb8;
	[tilespmem:$0x10100] =	vst v63  }
0xb0: {  	s26 =	simm.s32 $0xB900  }
0xb1: {  	[tilespmem:s26], [sflag:$0x2] =	stream.indirect_vreg.gather [hbm4b:s11+s3], $0x80, v2, vm0, $0xb8;
	[tilespmem:$0x10100] =	vst v63  }
0xb2: {  	s26 =	simm.s32 $0xC100  }
0xb3: {  	[tilespmem:s26], [sflag:$0x2] =	stream.indirect_vreg.gather [hbm4b:s12+s3], $0x80, v2, vm0, $0xb8;
	[tilespmem:$0x10100] =	vst v63  }
0xb4: {  	s26 =	simm.s32 $0xC900  }
0xb5: {  	[tilespmem:s26], [sflag:$0x2] =	stream.indirect_vreg.gather [hbm4b:s13+s3], $0x80, v2, vm0, $0xb8;
	[tilespmem:$0x10100] =	vst v63  }
0xb6: {  	s26 =	simm.s32 $0xD100  }
0xb7: {  	[tilespmem:s26], [sflag:$0x2] =	stream.indirect_vreg.gather [hbm4b:s14+s3], $0x80, v2, vm0, $0xb8;
	[tilespmem:$0x10100] =	vst v63  }
0xb8: {  	s26 =	simm.s32 $0xD900  }
0xb9: {  	[tilespmem:s26], [sflag:$0x2] =	stream.indirect_vreg.gather [hbm4b:s15+s3], $0x80, v2, vm0, $0xb8;
	[tilespmem:$0x10100] =	vst v63  }
0xba: {  	s26 =	simm.s32 $0xE100  }
0xbb: {  	[tilespmem:s26], [sflag:$0x2] =	stream.indirect_vreg.gather [hbm4b:s16+s3], $0x80, v2, vm0, $0xb8;
	[tilespmem:$0x10100] =	vst v63  }
0xbc: {  	p0 =	sne.s32 s22, $0x1C000;
	s26 =	simm.s32 $0xE900  }
0xbd: {  	[tilespmem:s26], [sflag:$0x2] =	stream.indirect_vreg.gather [hbm4b:s17+s3], $0x80, v2, vm0, $0xb8;
	[tilespmem:$0x10100] =	vst v63  }
.Ltmp0:
0xbe: {  	_ = 	snop;
	(pc) =	sbr.rel @p0 .LBB2_2-.Ltmp0, $4  }
0xbf: {  	s26 =	simm.s32 $0xF100  }
0xc0: {  	[tilespmem:s26], [sflag:$0x2] =	stream.indirect_vreg.gather [hbm4b:s18+s3], $0x80, v2, vm0, $0xb8;
	[tilespmem:$0x10100] =	vst v63  }
0xc1: {  	s1 =	simm.s32 $0x100;
	s22 =	sadd.s32 $0x2000, s22;
	s21 =	sadd.s32 $0x10, s21  }
0xc2: {  	[tilespmem:s30], [sflag:$0x2] =	stream.indirect_vreg.gather [hbm4b:s19+s3], $0x80, v2, vm0, $0xb8;
	[tilespmem:$0x10100] =	vst v63  }
0xc3: {  	_ =	swait.ge [sflag:s0], $0x8000  }
0xc4: {  	[sflag:s0] =	ssyncset.done $0x0  }
0xc5: {  	s21 =	rddreg [dreg:$0x7];
	[sflag:s0] =	ssyncadd.s32 $0xFFFF8000  }
0xc6: {  	[hbm4b:s21+s3] =	stream.linear.scatter [tilespmem:s1], [sflag:$0x3], $0x8000, $0x38;
	[tilespmem:$0x10100] =	vst v63  }
0xc7: {  	_ =	swait.ge [sflag:s2], $0x8000  }
0xc8: {  	[sflag:s2] =	ssyncset.done $0x0  }
0xc9: {  	s25 =	rddreg [dreg:$0x8];
	[sflag:s2] =	ssyncadd.s32 $0xFFFF8000  }
0xca: {  	[hbm4b:s25+s3] =	stream.linear.scatter [tilespmem:s28], [sflag:$0x4], $0x8000, $0x38;
	[tilespmem:$0x10100] =	vst v63  }
0xcb: {  	_ =	swait.ge [sflag:s4], $0x8000  }
0xcc: {  	[sflag:s4] =	ssyncset.done $0x0  }
0xcd: {  	[sflag:s4] =	ssyncadd.s32 $0xFFFF8000  }
0xce: {  	_ =	swait.ge [sflag:s20], $0x8000  }
0xcf: {  	s22 =	rddreg [dreg:$0xa]  }
0xd0: {  	s26 =	rddreg [dreg:$0x9];
	s22 =	sadd.s32 $0x1, s22  }
0xd1: {  	p0 =	sne.s32 s22, s26  }
.Ltmp1:
0xd2: {  	_ = 	snop;
	(pc) =	sbr.rel @p0 .LBB2_1-.Ltmp1, $4  }
0xd3: {  	_ = 	snop  }
0xd4: {  	s29 =	simm.s32 $0x2900;
	s30 =	simm.s32 $0x3100;
	[sflag:s20] =	ssyncset.done $0x0  }
0xd5: {  	s24 =	simm.s32 $0x3900;
	s25 =	simm.s32 $0x1900;
	[sflag:s20] =	ssyncadd.s32 $0xFFFF8000  }
0xd6: {  	[dreg:$0xa] =	wrdreg s22;
	s22 =	simm.s32 $0x1100;
	s26 =	simm.s32 $0x2100  }
0xd7: {  	_ =	sfence.sel $0x180000  }
0xd8: {  	[bflag:$0x0] =	sbarrier.arrive $0xFFFF  }
0xd9: {  	_ =	strace $0x90000047  }
0xda: {  	s0 =	stileid.u32;
	[bflag:$0x2] =	sbarrier.arrive $0xFFFF  }
0xdb: {  	p0 =	sne.s32 s0, $0x0;
	s0 =	rddreg [dreg:$0x3]  }
0xdc: {  	s0 =	sadd.s32 @!p0 $0x100000, s0  }
0xdd: {  	[sflag:s0] =	ssyncadd.tile.s32 @!p0 $0x1;
	_ =	shalt  }
.Lfunc_end2:
_tile_overlayer_lowered:
.L_overlay_start_2:
0xde: {  	(tag) =	ssettag $0x2  }
0xdf: {  	s0 =	rddreg [dreg:$0x0];
	s2 =	stileid.u32  }
0xe0: {  	s1 =	rddreg [dreg:$0x1];
	p0 =	sne.s32 s2, $0x0  }
0xe1: {  	s3 =	rddreg [dreg:$0x2];
	[bflag:$0x3] =	sbarrier.arrive $0xFFFF;
	s2 =	simm.s32 @!p0 $0x1C05  }
0xe2: {  	[timem:s3], [sflag:s2] =	dma.local @!p0 [hbm:s0], s1  }
0xe3: {  	s0 =	simm.s32 @!p0 $0x5  }
0xe4: {  	_ =	swait.ge @!p0 [sflag:s0], s1  }
0xe5: {  	s1 =	ssub.s32 @!p0 $0x0, s1;
	[sflag:s0] =	ssyncset.done @!p0 $0x0  }
0xe6: {  	[sflag:s0] =	ssyncadd.s32 @!p0 s1  }
0xe7: {  	[bflag:$0x3] =	sbarrier.arrive $0xFFFF  }
0xe8: {  	_ =	shalt  }

</sc_bundles>
